<compile_context>
chip_gen: v7x
topology: tpu7x:2x2x1
jax: 0.10.2.dev20260603
libtpu: 0.0.44.dev20260713+nightly
codegen_flags: <defaults>
</compile_context>

<pallas_src>
import functools

import jax
import jax.numpy as jnp
from jax import lax
from jax.experimental import pallas as pl
from jax.experimental.pallas import tpu as pltpu
from jax.experimental.pallas import tpu_sc as plsc

HIDDEN = 64
LANES = 16
NC = 2
NS = 16
NW = NC * NS
CHUNK = 128


def _sc_gather_sum(idx_x, idx_y, idx_c, pos_table, cell_table):
    n_rows = idx_x.shape[0]
    rows_per_w = n_rows // NW
    n_chunks = rows_per_w // CHUNK
    mesh = plsc.VectorSubcoreMesh(core_axis_name="c", subcore_axis_name="s")

    @functools.partial(
        pl.kernel,
        mesh=mesh,
        compiler_params=pltpu.CompilerParams(use_tc_tiling_on_sc=False),
        out_type=jax.ShapeDtypeStruct((n_rows, HIDDEN), jnp.float32),
        scratch_types=[
            pltpu.VMEM((CHUNK,), jnp.int32),
            pltpu.VMEM((CHUNK,), jnp.int32),
            pltpu.VMEM((CHUNK,), jnp.int32),
            pltpu.VMEM((CHUNK, HIDDEN), jnp.float32),
            pltpu.VMEM((CHUNK, HIDDEN), jnp.float32),
            pltpu.VMEM((CHUNK, HIDDEN), jnp.float32),
            pltpu.SemaphoreType.DMA,
        ],
    )
    def k(ix_hbm, iy_hbm, ic_hbm, pos_hbm, cell_hbm, out_hbm,
          ix_v, iy_v, ic_v, xr, yr, cr, sem):
        wid = lax.axis_index("s") * NC + lax.axis_index("c")
        base = wid * rows_per_w

        def chunk_body(i, carry):
            off = base + i * CHUNK
            pltpu.sync_copy(ix_hbm.at[pl.ds(off, CHUNK)], ix_v)
            pltpu.sync_copy(iy_hbm.at[pl.ds(off, CHUNK)], iy_v)
            pltpu.sync_copy(ic_hbm.at[pl.ds(off, CHUNK)], ic_v)
            cx = pltpu.async_copy(pos_hbm.at[ix_v], xr, sem)
            cy = pltpu.async_copy(pos_hbm.at[iy_v], yr, sem)
            cc = pltpu.async_copy(cell_hbm.at[ic_v], cr, sem)
            cx.wait()
            cy.wait()
            cc.wait()

            def row_body(r, rc):
                for q in range(HIDDEN // LANES):
                    sl = pl.ds(q * LANES, LANES)
                    xr[r, sl] = xr[r, sl] + yr[r, sl] + cr[r, sl]
                return rc

            lax.fori_loop(0, CHUNK, row_body, 0)
            pltpu.sync_copy(xr, out_hbm.at[pl.ds(off, CHUNK)])
            return carry

        lax.fori_loop(0, n_chunks, chunk_body, 0)

    return k(idx_x, idx_y, idx_c, pos_table, cell_table)


def _tc_combine(mv2, W, b2, E):
    n_rows = mv2.shape[0]
    blk = 2048
    marker_dim = mv2.shape[1]

    def body(mv_ref, w_ref, b_ref, e_ref, o_ref):
        o_ref[...] = (
            jnp.dot(mv_ref[...], w_ref[...], preferred_element_type=jnp.float32)
            + b_ref[...] + e_ref[...]
        )

    return pl.pallas_call(
        body,
        grid=(n_rows // blk,),
        in_specs=[
            pl.BlockSpec((blk, marker_dim), lambda i: (i, 0)),
            pl.BlockSpec((marker_dim, HIDDEN), lambda i: (0, 0)),
            pl.BlockSpec((1, HIDDEN), lambda i: (0, 0)),
            pl.BlockSpec((blk, HIDDEN), lambda i: (i, 0)),
        ],
        out_specs=pl.BlockSpec((blk, HIDDEN), lambda i: (i, 0)),
        out_shape=jax.ShapeDtypeStruct((n_rows, HIDDEN), jnp.float32),
    )(mv2, W, b2, E)


def kernel(marker_values, rel_positions, cell_types, W, b, cell_type_table, position_table):
    batch, seq, marker_dim = marker_values.shape
    n = batch * seq
    mv2 = marker_values.reshape(n, marker_dim)
    idx_x = rel_positions[:, :, 0].reshape(n)
    idx_y = rel_positions[:, :, 1].reshape(n)
    idx_c = cell_types.reshape(n)
    e = _sc_gather_sum(idx_x, idx_y, idx_c, position_table, cell_type_table)
    out = _tc_combine(mv2, W, b.reshape(1, HIDDEN), e)
    return out.reshape(batch, seq, HIDDEN)

# --- scband reference (transcript-rebuilt; emitter-appended) ---
"""Pipeline reference for scband-cell-embedding-12163347383248 (READ-ONLY COPY).

The authoritative reference and input builder live on the scoring server;
editing this copy changes nothing except your own understanding.
"""

import jax, jax.numpy as jnp
import numpy as np

MAX_POSITION = 1000
HIDDEN_DIM = 64
MARKER_DIM = 16
NUM_CELL_TYPES = 1000
BATCH = 16384
SEQ = 50


def _sinusoidal_table(max_position, hidden_dim):
    position = np.arange(max_position, dtype=np.float64)[:, None]
    div_term = np.exp(np.arange(0, hidden_dim, 2, dtype=np.float64) * (-np.log(10000.0) / hidden_dim))
    pt = np.zeros((max_position, hidden_dim), dtype=np.float32)
    pt[:, 0::2] = np.sin(position * div_term).astype(np.float32)
    pt[:, 1::2] = np.cos(position * div_term).astype(np.float32)
    return jnp.asarray(pt)


def setup_inputs(seed: int = 0) -> dict:
    key = jax.random.key(seed)
    k1, k2, k3, k4, k5, k6 = jax.random.split(key, 6)
    marker_values = jax.random.normal(k1, (BATCH, SEQ, MARKER_DIM), dtype=jnp.float32)
    rel_positions = jax.random.randint(k2, (BATCH, SEQ, 2), 0, MAX_POSITION, dtype=jnp.int64 if jax.config.jax_enable_x64 else jnp.int32).astype(jnp.int32)
    cell_types = jax.random.randint(k3, (BATCH, SEQ), 0, NUM_CELL_TYPES).astype(jnp.int32)
    # parameters
    W = jax.random.normal(k4, (MARKER_DIM, HIDDEN_DIM), dtype=jnp.float32) * (1.0 / np.sqrt(MARKER_DIM))
    b = jax.random.normal(k5, (HIDDEN_DIM,), dtype=jnp.float32) * 0.01
    cell_type_table = jax.random.normal(k6, (NUM_CELL_TYPES, HIDDEN_DIM), dtype=jnp.float32)
    position_table = _sinusoidal_table(MAX_POSITION, HIDDEN_DIM)
    return {
        "marker_values": marker_values,
        "rel_positions": rel_positions,
        "cell_types": cell_types,
        "W": W,
        "b": b,
        "cell_type_table": cell_type_table,
        "position_table": position_table,
    }


def reference(marker_values, rel_positions, cell_types, W, b, cell_type_table, position_table):
    # marker embedding (Linear)
    marker_embed = jnp.einsum('bsm,mh->bsh', marker_values, W) + b
    # positional embedding lookups (gathers)
    max_pos = position_table.shape[0]
    rel_pos_x = jnp.clip(rel_positions[:, :, 0], 0, max_pos - 1)
    rel_pos_y = jnp.clip(rel_positions[:, :, 1], 0, max_pos - 1)
    pos_embed_x = jnp.take(position_table, rel_pos_x, axis=0)
    pos_embed_y = jnp.take(position_table, rel_pos_y, axis=0)
    pos_embed = pos_embed_x + pos_embed_y
    combined = marker_embed + pos_embed
    # cell type embedding lookup
    cell_type_embed = jnp.take(cell_type_table, cell_types, axis=0)
    combined = combined + cell_type_embed
    return combined

if __name__ == "__main__":
    import jax
    _d = setup_inputs()
    print(jax.jit(kernel)(*tuple(_d.values())))

</pallas_src>

<mosaic_0001>
#map = affine_map<(d0, d1) -> (0)>
#map1 = affine_map<(d0, d1) -> (0, 0)>
module attributes {stable_mosaic.version = 14 : i64} {
  func.func @k(%arg0: i32, %arg1: i32, %arg2: memref<819200xi32, #tpu.memory_space<hbm>>, %arg3: memref<819200xi32, #tpu.memory_space<hbm>>, %arg4: memref<819200xi32, #tpu.memory_space<hbm>>, %arg5: memref<1000x64xf32, #tpu.memory_space<hbm>>, %arg6: memref<1000x64xf32, #tpu.memory_space<hbm>>, %arg7: memref<819200x64xf32, #tpu.memory_space<hbm>>, %arg8: memref<128xi32, #tpu.memory_space<vmem>>, %arg9: memref<128xi32, #tpu.memory_space<vmem>>, %arg10: memref<128xi32, #tpu.memory_space<vmem>>, %arg11: memref<128x64xf32, #tpu.memory_space<vmem>>, %arg12: memref<128x64xf32, #tpu.memory_space<vmem>>, %arg13: memref<128x64xf32, #tpu.memory_space<vmem>>, %arg14: memref<!tpu.dma_semaphore, #tpu.memory_space<semaphore_mem>>) attributes {dimension_semantics = [#tpu.dimension_semantics<core_parallel>, #tpu.dimension_semantics<subcore_parallel>], iteration_bounds = array<i64: 2, 16>, scalar_prefetch = 0 : i64, scratch_operands = 7 : i64, tpu.core_type = #tpu.core_type<sc_vector_subcore>, window_params = [{transform_indices = #map}, {transform_indices = #map}, {transform_indices = #map}, {transform_indices = #map1}, {transform_indices = #map1}, {transform_indices = #map1}]} {
    %mul3A = arith.constant 2 : i32
    %mul3A_0 = arith.muli %arg1, %mul3A : i32
    %add3A = arith.addi %mul3A_0, %arg0 : i32
    %mul3A_1 = arith.constant 25600 : i32
    %mul3A_2 = arith.muli %add3A, %mul3A_1 : i32
    %scan3A = arith.constant 0 : i32
    %scan3A_3 = arith.constant 0 : i32
    %scan3A_4 = arith.constant 200 : i32
    %scan3A_5 = arith.addi %scan3A_3, %scan3A_4 : i32
    %scan3A_6 = arith.constant 1 : i32
    scf.for %scan3A_8 = %scan3A_3 to %scan3A_5 step %scan3A_6  : i32 {
      %mul3A_9 = arith.constant 128 : i32
      %mul3A_10 = arith.muli %scan3A_8, %mul3A_9 : i32
      %add3A_11 = arith.addi %mul3A_2, %mul3A_10 : i32
      "tpu.region"() ({
        %run_scoped3A = tpu.sem_alloc : memref<!tpu.dma_semaphore, #tpu.memory_space<semaphore_mem>>
        %dma_start3A_34 = tpu.memref_slice %arg2[%add3A_11] : memref<819200xi32, #tpu.memory_space<hbm>> -> memref<128xi32, #tpu.memory_space<hbm>>
        %dma_start3A_35 = tpu.memref_slice %arg2[%add3A_11] : memref<819200xi32, #tpu.memory_space<hbm>> -> memref<128xi32, #tpu.memory_space<hbm>>
        tpu.enqueue_dma source(%dma_start3A_35 : memref<128xi32, #tpu.memory_space<hbm>>) target(%arg8 : memref<128xi32, #tpu.memory_space<vmem>>) target_semaphore(%run_scoped3A : memref<!tpu.dma_semaphore, #tpu.memory_space<semaphore_mem>>)
        %dma_wait3A_36 = tpu.memref_slice %arg2[%add3A_11] : memref<819200xi32, #tpu.memory_space<hbm>> -> memref<128xi32, #tpu.memory_space<hbm>>
        %dma_wait3A_37 = tpu.memref_slice %arg2[%add3A_11] : memref<819200xi32, #tpu.memory_space<hbm>> -> memref<128xi32, #tpu.memory_space<hbm>>
        tpu.wait_dma2 semaphore(%run_scoped3A : memref<!tpu.dma_semaphore, #tpu.memory_space<semaphore_mem>>) src(%dma_wait3A_37 : memref<128xi32, #tpu.memory_space<hbm>>) dst(%arg8 : memref<128xi32, #tpu.memory_space<vmem>>)
        tpu.yield
      }) : () -> ()
      "tpu.region"() ({
        %run_scoped3A = tpu.sem_alloc : memref<!tpu.dma_semaphore, #tpu.memory_space<semaphore_mem>>
        %dma_start3A_34 = tpu.memref_slice %arg3[%add3A_11] : memref<819200xi32, #tpu.memory_space<hbm>> -> memref<128xi32, #tpu.memory_space<hbm>>
        %dma_start3A_35 = tpu.memref_slice %arg3[%add3A_11] : memref<819200xi32, #tpu.memory_space<hbm>> -> memref<128xi32, #tpu.memory_space<hbm>>
        tpu.enqueue_dma source(%dma_start3A_35 : memref<128xi32, #tpu.memory_space<hbm>>) target(%arg9 : memref<128xi32, #tpu.memory_space<vmem>>) target_semaphore(%run_scoped3A : memref<!tpu.dma_semaphore, #tpu.memory_space<semaphore_mem>>)
        %dma_wait3A_36 = tpu.memref_slice %arg3[%add3A_11] : memref<819200xi32, #tpu.memory_space<hbm>> -> memref<128xi32, #tpu.memory_space<hbm>>
        %dma_wait3A_37 = tpu.memref_slice %arg3[%add3A_11] : memref<819200xi32, #tpu.memory_space<hbm>> -> memref<128xi32, #tpu.memory_space<hbm>>
        tpu.wait_dma2 semaphore(%run_scoped3A : memref<!tpu.dma_semaphore, #tpu.memory_space<semaphore_mem>>) src(%dma_wait3A_37 : memref<128xi32, #tpu.memory_space<hbm>>) dst(%arg9 : memref<128xi32, #tpu.memory_space<vmem>>)
        tpu.yield
      }) : () -> ()
      "tpu.region"() ({
        %run_scoped3A = tpu.sem_alloc : memref<!tpu.dma_semaphore, #tpu.memory_space<semaphore_mem>>
        %dma_start3A_34 = tpu.memref_slice %arg4[%add3A_11] : memref<819200xi32, #tpu.memory_space<hbm>> -> memref<128xi32, #tpu.memory_space<hbm>>
        %dma_start3A_35 = tpu.memref_slice %arg4[%add3A_11] : memref<819200xi32, #tpu.memory_space<hbm>> -> memref<128xi32, #tpu.memory_space<hbm>>
        tpu.enqueue_dma source(%dma_start3A_35 : memref<128xi32, #tpu.memory_space<hbm>>) target(%arg10 : memref<128xi32, #tpu.memory_space<vmem>>) target_semaphore(%run_scoped3A : memref<!tpu.dma_semaphore, #tpu.memory_space<semaphore_mem>>)
        %dma_wait3A_36 = tpu.memref_slice %arg4[%add3A_11] : memref<819200xi32, #tpu.memory_space<hbm>> -> memref<128xi32, #tpu.memory_space<hbm>>
        %dma_wait3A_37 = tpu.memref_slice %arg4[%add3A_11] : memref<819200xi32, #tpu.memory_space<hbm>> -> memref<128xi32, #tpu.memory_space<hbm>>
        tpu.wait_dma2 semaphore(%run_scoped3A : memref<!tpu.dma_semaphore, #tpu.memory_space<semaphore_mem>>) src(%dma_wait3A_37 : memref<128xi32, #tpu.memory_space<hbm>>) dst(%arg10 : memref<128xi32, #tpu.memory_space<vmem>>)
        tpu.yield
      }) : () -> ()
      %dma_start3A = arith.constant 0 : i32
      %dma_start3A_12 = arith.constant 0 : i32
      %dma_start3A_13 = tpu.memref_slice %arg5[%dma_start3A, %dma_start3A_12] : memref<1000x64xf32, #tpu.memory_space<hbm>> -> memref<1000x64xf32, #tpu.memory_space<hbm>>
      tpu.enqueue_indirect_dma source(%dma_start3A_13 : memref<1000x64xf32, #tpu.memory_space<hbm>>) target(%arg11 : memref<128x64xf32, #tpu.memory_space<vmem>>) offsets(%arg8 : memref<128xi32, #tpu.memory_space<vmem>>) semaphore(%arg14 : memref<!tpu.dma_semaphore, #tpu.memory_space<semaphore_mem>>)
      %dma_start3A_14 = arith.constant 0 : i32
      %dma_start3A_15 = arith.constant 0 : i32
      %dma_start3A_16 = tpu.memref_slice %arg5[%dma_start3A_14, %dma_start3A_15] : memref<1000x64xf32, #tpu.memory_space<hbm>> -> memref<1000x64xf32, #tpu.memory_space<hbm>>
      tpu.enqueue_indirect_dma source(%dma_start3A_16 : memref<1000x64xf32, #tpu.memory_space<hbm>>) target(%arg12 : memref<128x64xf32, #tpu.memory_space<vmem>>) offsets(%arg9 : memref<128xi32, #tpu.memory_space<vmem>>) semaphore(%arg14 : memref<!tpu.dma_semaphore, #tpu.memory_space<semaphore_mem>>)
      %dma_start3A_17 = arith.constant 0 : i32
      %dma_start3A_18 = arith.constant 0 : i32
      %dma_start3A_19 = tpu.memref_slice %arg6[%dma_start3A_17, %dma_start3A_18] : memref<1000x64xf32, #tpu.memory_space<hbm>> -> memref<1000x64xf32, #tpu.memory_space<hbm>>
      tpu.enqueue_indirect_dma source(%dma_start3A_19 : memref<1000x64xf32, #tpu.memory_space<hbm>>) target(%arg13 : memref<128x64xf32, #tpu.memory_space<vmem>>) offsets(%arg10 : memref<128xi32, #tpu.memory_space<vmem>>) semaphore(%arg14 : memref<!tpu.dma_semaphore, #tpu.memory_space<semaphore_mem>>)
      %dma_wait3A = arith.constant 0 : i32
      %dma_wait3A_20 = arith.constant 0 : i32
      %dma_wait3A_21 = tpu.memref_slice %arg5[%dma_wait3A, %dma_wait3A_20] : memref<1000x64xf32, #tpu.memory_space<hbm>> -> memref<1000x64xf32, #tpu.memory_space<hbm>>
      tpu.wait_indirect_dma semaphore(%arg14 : memref<!tpu.dma_semaphore, #tpu.memory_space<semaphore_mem>>) src(%dma_wait3A_21 : memref<1000x64xf32, #tpu.memory_space<hbm>>) dst(%arg11 : memref<128x64xf32, #tpu.memory_space<vmem>>)
      %dma_wait3A_22 = arith.constant 0 : i32
      %dma_wait3A_23 = arith.constant 0 : i32
      %dma_wait3A_24 = tpu.memref_slice %arg5[%dma_wait3A_22, %dma_wait3A_23] : memref<1000x64xf32, #tpu.memory_space<hbm>> -> memref<1000x64xf32, #tpu.memory_space<hbm>>
      tpu.wait_indirect_dma semaphore(%arg14 : memref<!tpu.dma_semaphore, #tpu.memory_space<semaphore_mem>>) src(%dma_wait3A_24 : memref<1000x64xf32, #tpu.memory_space<hbm>>) dst(%arg12 : memref<128x64xf32, #tpu.memory_space<vmem>>)
      %dma_wait3A_25 = arith.constant 0 : i32
      %dma_wait3A_26 = arith.constant 0 : i32
      %dma_wait3A_27 = tpu.memref_slice %arg6[%dma_wait3A_25, %dma_wait3A_26] : memref<1000x64xf32, #tpu.memory_space<hbm>> -> memref<1000x64xf32, #tpu.memory_space<hbm>>
      tpu.wait_indirect_dma semaphore(%arg14 : memref<!tpu.dma_semaphore, #tpu.memory_space<semaphore_mem>>) src(%dma_wait3A_27 : memref<1000x64xf32, #tpu.memory_space<hbm>>) dst(%arg13 : memref<128x64xf32, #tpu.memory_space<vmem>>)
      %scan3A_28 = arith.constant 0 : i32
      %scan3A_29 = arith.constant 0 : i32
      %scan3A_30 = arith.constant 128 : i32
      %scan3A_31 = arith.addi %scan3A_29, %scan3A_30 : i32
      %scan3A_32 = arith.constant 1 : i32
      scf.for %scan3A_34 = %scan3A_29 to %scan3A_31 step %scan3A_32  : i32 {
        %get3A = arith.index_cast %scan3A_34 : i32 to index
        %get3A_35 = arith.constant 0 : index
        %get3A_36 = tpu.vector_load %arg11[%get3A, %get3A_35] {strides = array<i32>} : memref<128x64xf32, #tpu.memory_space<vmem>>, vector<1x16xf32>,
        %get3A_37 = vector.shape_cast %get3A_36 : vector<1x16xf32> to vector<16xf32>
        %get3A_38 = arith.index_cast %scan3A_34 : i32 to index
        %get3A_39 = arith.constant 0 : index
        %get3A_40 = tpu.vector_load %arg12[%get3A_38, %get3A_39] {strides = array<i32>} : memref<128x64xf32, #tpu.memory_space<vmem>>, vector<1x16xf32>,
        %get3A_41 = vector.shape_cast %get3A_40 : vector<1x16xf32> to vector<16xf32>
        %add3A_42 = arith.addf %get3A_37, %get3A_41 : vector<16xf32>
        %get3A_43 = arith.index_cast %scan3A_34 : i32 to index
        %get3A_44 = arith.constant 0 : index
        %get3A_45 = tpu.vector_load %arg13[%get3A_43, %get3A_44] {strides = array<i32>} : memref<128x64xf32, #tpu.memory_space<vmem>>, vector<1x16xf32>,
        %get3A_46 = vector.shape_cast %get3A_45 : vector<1x16xf32> to vector<16xf32>
        %add3A_47 = arith.addf %add3A_42, %get3A_46 : vector<16xf32>
        %swap3A = arith.index_cast %scan3A_34 : i32 to index
        %swap3A_48 = arith.constant 0 : index
        %swap3A_49 = tpu.vector_load %arg11[%swap3A, %swap3A_48] {strides = array<i32>} : memref<128x64xf32, #tpu.memory_space<vmem>>, vector<1x16xf32>,
        %swap3A_50 = vector.shape_cast %swap3A_49 : vector<1x16xf32> to vector<16xf32>
        %swap3A_51 = vector.shape_cast %add3A_47 : vector<16xf32> to vector<1x16xf32>
        tpu.vector_store %arg11[%swap3A, %swap3A_48], %swap3A_51 {strides = array<i32>} : memref<128x64xf32, #tpu.memory_space<vmem>>, vector<1x16xf32>,
        %get3A_52 = arith.index_cast %scan3A_34 : i32 to index
        %get3A_53 = arith.constant 16 : index
        %get3A_54 = tpu.vector_load %arg11[%get3A_52, %get3A_53] {strides = array<i32>} : memref<128x64xf32, #tpu.memory_space<vmem>>, vector<1x16xf32>,
        %get3A_55 = vector.shape_cast %get3A_54 : vector<1x16xf32> to vector<16xf32>
        %get3A_56 = arith.index_cast %scan3A_34 : i32 to index
        %get3A_57 = arith.constant 16 : index
        %get3A_58 = tpu.vector_load %arg12[%get3A_56, %get3A_57] {strides = array<i32>} : memref<128x64xf32, #tpu.memory_space<vmem>>, vector<1x16xf32>,
        %get3A_59 = vector.shape_cast %get3A_58 : vector<1x16xf32> to vector<16xf32>
        %add3A_60 = arith.addf %get3A_55, %get3A_59 : vector<16xf32>
        %get3A_61 = arith.index_cast %scan3A_34 : i32 to index
        %get3A_62 = arith.constant 16 : index
        %get3A_63 = tpu.vector_load %arg13[%get3A_61, %get3A_62] {strides = array<i32>} : memref<128x64xf32, #tpu.memory_space<vmem>>, vector<1x16xf32>,
        %get3A_64 = vector.shape_cast %get3A_63 : vector<1x16xf32> to vector<16xf32>
        %add3A_65 = arith.addf %add3A_60, %get3A_64 : vector<16xf32>
        %swap3A_66 = arith.index_cast %scan3A_34 : i32 to index
        %swap3A_67 = arith.constant 16 : index
        %swap3A_68 = tpu.vector_load %arg11[%swap3A_66, %swap3A_67] {strides = array<i32>} : memref<128x64xf32, #tpu.memory_space<vmem>>, vector<1x16xf32>,
        %swap3A_69 = vector.shape_cast %swap3A_68 : vector<1x16xf32> to vector<16xf32>
        %swap3A_70 = vector.shape_cast %add3A_65 : vector<16xf32> to vector<1x16xf32>
        tpu.vector_store %arg11[%swap3A_66, %swap3A_67], %swap3A_70 {strides = array<i32>} : memref<128x64xf32, #tpu.memory_space<vmem>>, vector<1x16xf32>,
        %get3A_71 = arith.index_cast %scan3A_34 : i32 to index
        %get3A_72 = arith.constant 32 : index
        %get3A_73 = tpu.vector_load %arg11[%get3A_71, %get3A_72] {strides = array<i32>} : memref<128x64xf32, #tpu.memory_space<vmem>>, vector<1x16xf32>,
        %get3A_74 = vector.shape_cast %get3A_73 : vector<1x16xf32> to vector<16xf32>
        %get3A_75 = arith.index_cast %scan3A_34 : i32 to index
        %get3A_76 = arith.constant 32 : index
        %get3A_77 = tpu.vector_load %arg12[%get3A_75, %get3A_76] {strides = array<i32>} : memref<128x64xf32, #tpu.memory_space<vmem>>, vector<1x16xf32>,
        %get3A_78 = vector.shape_cast %get3A_77 : vector<1x16xf32> to vector<16xf32>
        %add3A_79 = arith.addf %get3A_74, %get3A_78 : vector<16xf32>
        %get3A_80 = arith.index_cast %scan3A_34 : i32 to index
        %get3A_81 = arith.constant 32 : index
        %get3A_82 = tpu.vector_load %arg13[%get3A_80, %get3A_81] {strides = array<i32>} : memref<128x64xf32, #tpu.memory_space<vmem>>, vector<1x16xf32>,
        %get3A_83 = vector.shape_cast %get3A_82 : vector<1x16xf32> to vector<16xf32>
        %add3A_84 = arith.addf %add3A_79, %get3A_83 : vector<16xf32>
        %swap3A_85 = arith.index_cast %scan3A_34 : i32 to index
        %swap3A_86 = arith.constant 32 : index
        %swap3A_87 = tpu.vector_load %arg11[%swap3A_85, %swap3A_86] {strides = array<i32>} : memref<128x64xf32, #tpu.memory_space<vmem>>, vector<1x16xf32>,
        %swap3A_88 = vector.shape_cast %swap3A_87 : vector<1x16xf32> to vector<16xf32>
        %swap3A_89 = vector.shape_cast %add3A_84 : vector<16xf32> to vector<1x16xf32>
        tpu.vector_store %arg11[%swap3A_85, %swap3A_86], %swap3A_89 {strides = array<i32>} : memref<128x64xf32, #tpu.memory_space<vmem>>, vector<1x16xf32>,
        %get3A_90 = arith.index_cast %scan3A_34 : i32 to index
        %get3A_91 = arith.constant 48 : index
        %get3A_92 = tpu.vector_load %arg11[%get3A_90, %get3A_91] {strides = array<i32>} : memref<128x64xf32, #tpu.memory_space<vmem>>, vector<1x16xf32>,
        %get3A_93 = vector.shape_cast %get3A_92 : vector<1x16xf32> to vector<16xf32>
        %get3A_94 = arith.index_cast %scan3A_34 : i32 to index
        %get3A_95 = arith.constant 48 : index
        %get3A_96 = tpu.vector_load %arg12[%get3A_94, %get3A_95] {strides = array<i32>} : memref<128x64xf32, #tpu.memory_space<vmem>>, vector<1x16xf32>,
        %get3A_97 = vector.shape_cast %get3A_96 : vector<1x16xf32> to vector<16xf32>
        %add3A_98 = arith.addf %get3A_93, %get3A_97 : vector<16xf32>
        %get3A_99 = arith.index_cast %scan3A_34 : i32 to index
        %get3A_100 = arith.constant 48 : index
        %get3A_101 = tpu.vector_load %arg13[%get3A_99, %get3A_100] {strides = array<i32>} : memref<128x64xf32, #tpu.memory_space<vmem>>, vector<1x16xf32>,
        %get3A_102 = vector.shape_cast %get3A_101 : vector<1x16xf32> to vector<16xf32>
        %add3A_103 = arith.addf %add3A_98, %get3A_102 : vector<16xf32>
        %swap3A_104 = arith.index_cast %scan3A_34 : i32 to index
        %swap3A_105 = arith.constant 48 : index
        %swap3A_106 = tpu.vector_load %arg11[%swap3A_104, %swap3A_105] {strides = array<i32>} : memref<128x64xf32, #tpu.memory_space<vmem>>, vector<1x16xf32>,
        %swap3A_107 = vector.shape_cast %swap3A_106 : vector<1x16xf32> to vector<16xf32>
        %swap3A_108 = vector.shape_cast %add3A_103 : vector<16xf32> to vector<1x16xf32>
        tpu.vector_store %arg11[%swap3A_104, %swap3A_105], %swap3A_108 {strides = array<i32>} : memref<128x64xf32, #tpu.memory_space<vmem>>, vector<1x16xf32>,
      }
      %scan3A_33 = arith.constant 128 : i32
      "tpu.region"() ({
        %run_scoped3A = tpu.sem_alloc : memref<!tpu.dma_semaphore, #tpu.memory_space<semaphore_mem>>
        %dma_start3A_34 = arith.constant 0 : i32
        %dma_start3A_35 = tpu.memref_slice %arg7[%add3A_11, %dma_start3A_34] : memref<819200x64xf32, #tpu.memory_space<hbm>> -> memref<128x64xf32, #tpu.memory_space<hbm>>
        %dma_start3A_36 = arith.constant 0 : i32
        %dma_start3A_37 = tpu.memref_slice %arg7[%add3A_11, %dma_start3A_36] : memref<819200x64xf32, #tpu.memory_space<hbm>> -> memref<128x64xf32, #tpu.memory_space<hbm>>
        tpu.enqueue_dma source(%arg11 : memref<128x64xf32, #tpu.memory_space<vmem>>) target(%dma_start3A_37 : memref<128x64xf32, #tpu.memory_space<hbm>>) target_semaphore(%run_scoped3A : memref<!tpu.dma_semaphore, #tpu.memory_space<semaphore_mem>>)
        %dma_wait3A_38 = arith.constant 0 : i32
        %dma_wait3A_39 = tpu.memref_slice %arg7[%add3A_11, %dma_wait3A_38] : memref<819200x64xf32, #tpu.memory_space<hbm>> -> memref<128x64xf32, #tpu.memory_space<hbm>>
        %dma_wait3A_40 = arith.constant 0 : i32
        %dma_wait3A_41 = tpu.memref_slice %arg7[%add3A_11, %dma_wait3A_40] : memref<819200x64xf32, #tpu.memory_space<hbm>> -> memref<128x64xf32, #tpu.memory_space<hbm>>
        tpu.wait_dma2 semaphore(%run_scoped3A : memref<!tpu.dma_semaphore, #tpu.memory_space<semaphore_mem>>) src(%arg11 : memref<128x64xf32, #tpu.memory_space<vmem>>) dst(%dma_wait3A_41 : memref<128x64xf32, #tpu.memory_space<hbm>>)
        tpu.yield
      }) : () -> ()
    }
    %scan3A_7 = arith.constant 200 : i32
    return
  }
}

module attributes {stable_mosaic.version = 14 : i64} {
  func.func @body(%arg0: i32, %arg1: memref<2048x16xf32, #tpu.memory_space<vmem>>, %arg2: memref<16x64xf32, #tpu.memory_space<vmem>>, %arg3: memref<1x64xf32, #tpu.memory_space<vmem>>, %arg4: memref<2048x64xf32, #tpu.memory_space<vmem>>, %arg5: memref<2048x64xf32, #tpu.memory_space<vmem>>) attributes {dimension_semantics = [#tpu.dimension_semantics<arbitrary>], iteration_bounds = array<i64: 400>, scalar_prefetch = 0 : i64, scratch_operands = 0 : i64, tpu.core_type = #tpu.core_type<tc>, window_params = [{transform_indices = @transform_0, window_bounds = array<i64: 2048, 16>}, {pipeline_mode = #tpu.pipeline_mode<synchronous>, transform_indices = @transform_1, window_bounds = array<i64: 16, 64>}, {pipeline_mode = #tpu.pipeline_mode<synchronous>, transform_indices = @transform_2, window_bounds = array<i64: 1, 64>}, {transform_indices = @transform_3, window_bounds = array<i64: 2048, 64>}, {transform_indices = @transform_4, window_bounds = array<i64: 2048, 64>}]} {
    %get3A = arith.constant 0 : index
    %get3A_0 = arith.constant 0 : index
    %get3A_1 = vector.load %arg1[%get3A, %get3A_0] : memref<2048x16xf32, #tpu.memory_space<vmem>>, vector<2048x16xf32>
    %get3A_2 = arith.constant 0 : index
    %get3A_3 = arith.constant 0 : index
    %get3A_4 = vector.load %arg2[%get3A_2, %get3A_3] : memref<16x64xf32, #tpu.memory_space<vmem>>, vector<16x64xf32>
    %dot_general3A = arith.constant dense<0.000000e+00> : vector<2048x64xf32>
    %dot_general3A_5 = tpu.matmul %get3A_1, %get3A_4, %dot_general3A {dimension_numbers = #tpu.dot_dimension_numbers<[1], [0], [0], [1], [0, 0, 1, 1], [], []>, transpose_lhs_hint = false} : vector<2048x16xf32>, vector<16x64xf32>, vector<2048x64xf32> -> vector<2048x64xf32>
    %get3A_6 = arith.constant 0 : index
    %get3A_7 = arith.constant 0 : index
    %get3A_8 = vector.load %arg3[%get3A_6, %get3A_7] : memref<1x64xf32, #tpu.memory_space<vmem>>, vector<1x64xf32>
    %add3A = vector.broadcast %get3A_8 : vector<1x64xf32> to vector<2048x64xf32>
    %add3A_9 = arith.addf %dot_general3A_5, %add3A : vector<2048x64xf32>
    %get3A_10 = arith.constant 0 : index
    %get3A_11 = arith.constant 0 : index
    %get3A_12 = vector.load %arg4[%get3A_10, %get3A_11] : memref<2048x64xf32, #tpu.memory_space<vmem>>, vector<2048x64xf32>
    %add3A_13 = arith.addf %add3A_9, %get3A_12 : vector<2048x64xf32>
    %swap3A = arith.constant 0 : index
    %swap3A_14 = arith.constant 0 : index
    %swap3A_15 = vector.load %arg5[%swap3A, %swap3A_14] : memref<2048x64xf32, #tpu.memory_space<vmem>>, vector<2048x64xf32>
    tpu.vector_store %arg5[%swap3A, %swap3A_14], %add3A_13 {strides = array<i32>} : memref<2048x64xf32, #tpu.memory_space<vmem>>, vector<2048x64xf32>,
    return
  }
  func.func @transform_0(%arg0: i32) -> (i32, i32) {
    %c0_i32 = arith.constant 0 : i32
    %c0_i32_0 = arith.constant 0 : i32
    return %arg0, %c0_i32 : i32, i32
  }
  func.func @transform_1(%arg0: i32) -> (i32, i32) {
    %c0_i32 = arith.constant 0 : i32
    %c0_i32_0 = arith.constant 0 : i32
    %c0_i32_1 = arith.constant 0 : i32
    return %c0_i32, %c0_i32_0 : i32, i32
  }
  func.func @transform_2(%arg0: i32) -> (i32, i32) {
    %c0_i32 = arith.constant 0 : i32
    %c0_i32_0 = arith.constant 0 : i32
    %c0_i32_1 = arith.constant 0 : i32
    return %c0_i32, %c0_i32_0 : i32, i32
  }
  func.func @transform_3(%arg0: i32) -> (i32, i32) {
    %c0_i32 = arith.constant 0 : i32
    %c0_i32_0 = arith.constant 0 : i32
    return %arg0, %c0_i32 : i32, i32
  }
  func.func @transform_4(%arg0: i32) -> (i32, i32) {
    %c0_i32 = arith.constant 0 : i32
    %c0_i32_0 = arith.constant 0 : i32
    return %arg0, %c0_i32 : i32, i32
  }
}

</mosaic_0001>

<sc_bundles>
// kernel: kernel.4.cloned.1.call-start
scs
__scs_entry_jumppad:
0x0: {  	(pc) =	sbr.rel $0x88, $3  }
0x1: {  	(tag) =	ssettag $0x0;
	lr =	simm.s32 $0x1  }
0x2: {  	[smem:$0x3F9A] =	sst lr;
	_ =	strace $0xD0000000  }
0x3: {  	_ = 	snop  }
0x4: {  	_ = 	snop  }
0x5: {  	_ = 	snop  }
0x6: {  	_ = 	snop  }
0x7: {  	_ = 	snop  }
__scs_overlays_trampoline_lowered:
0x8: {  	[smem:$0x3FA9] =	sst s0  }
0x9: {  	[smem:$0x3FAA] =	sst s1  }
0xa: {  	[smem:$0x3FAB] =	sst s2  }
0xb: {  	[smem:$0x3FAC] =	sst s3  }
0xc: {  	[smem:$0x3FAD] =	sst s4  }
0xd: {  	[smem:$0x3FAE] =	sst s5  }
0xe: {  	[smem:$0x3FAF] =	sst s6  }
0xf: {  	[smem:$0x3FB0] =	sst s7  }
0x10: {  	[smem:$0x3FB1] =	sst s8  }
0x11: {  	[smem:$0x3FB2] =	sst s9;
	s0 =	simm.s32 @!p0 $0x0  }
0x12: {  	s1 =	sld [smem:$0x3F98];
	s0 =	simm.s32 @p0 $0x1  }
0x13: {  	[smem:$0x3FB3] =	sst s0;
	s0 =	simm.s32 @!p1 $0x0  }
0x14: {  	s2 =	sld [smem:$0x3F97];
	s0 =	simm.s32 @p1 $0x1  }
0x15: {  	[smem:$0x3FB4] =	sst s0;
	s0 =	simm.s32 @!p2 $0x0  }
0x16: {  	s3 =	sld [smem:$0x3FDB];
	s0 =	simm.s32 @p2 $0x1  }
0x17: {  	s4 =	simm.s32 $0x1BF5;
	[smem:$0x3FB6] =	sst s0  }
0x18: {  	s0 =	sld [smem:$0x3F99];
	_ =	swait.ge [sflag:s4], $0x0  }
0x19: {  	s7 =	sld [smem:$0x3F9A]  }
0x1a: {  	s8 =	sadd.s32 $0xFFFFE003, lr  }
0x1b: {  	s9 =	sadd.s32 $0xFFFFFEF7, lr;
	s5 =	simm.s32 $0xFFFFFFFF;
	p2 =	slt.u32 s8, $0xFFFFF086  }
0x1c: {  	p1 =	slt.u32 s9, $0xF7A;
	s5 =	simm.s32 @!p2 $0x0  }
0x1d: {  	s5 =	simm.s32 @p1 $0x1;
	p0 =	seq.s32 s7, s2  }
0x1e: {  	s7 =	smul.u32 @!p0 $0xF7A, s2;
	p2 =	seq.s32 @!p0 s5, $0x0  }
0x1f: {  	s9 =	smul.u32 $0xF7A, s1;
	s8 =	simm.s32 @!p0 $0x1BF5;
	p2 =	por !p2, p0  }
0x20: {  	[sflag:s8] =	ssyncset.s32 @!p0 $0xFFFFF086;
	s6 =	sadd.s32 @!p0 s3, s7;
	s7 =	simm.s32 @!p0 $0x108  }
0x21: {  	s3 =	sadd.s32 s3, s9;
	s6 =	sadd.s32 @!p0 $0x88, s6;
	s7 =	simm.s32 @p2 $0x1082  }
0x22: {  	[simem:s7], [sflag:s8] =	dma.local @!p0 [hbm:s6], $0xF7A  }
0x23: {  	s9 =	sor.u32 $0xD0000000, s2;
	s6 =	simm.s32 $0x108;
	_ =	swait.ge @!p0 [sflag:s8], $0x0  }
0x24: {  	s3 =	sadd.s32 $0x88, s3;
	s6 =	simm.s32 @!p1 $0x1082;
	[sflag:s4] =	ssyncset.s32 $0xFFFFF086  }
0x25: {  	[simem:s6], [sflag:s4] =	dma.local [hbm:s3], $0xF7A  }
0x26: {  	[smem:$0x3F9A] =	sst s1;
	(tag) =	ssettag s2;
	_ =	strace s9  }
0x27: {  	s1 =	sld [smem:$0x3FAA]  }
0x28: {  	s2 =	sld [smem:$0x3FAB]  }
0x29: {  	s4 =	sld [smem:$0x3FAD]  }
0x2a: {  	p0 =	seq.s32 s5, $0x0;
	s5 =	sld [smem:$0x3FAE]  }
0x2b: {  	s6 =	sld [smem:$0x3FAF]  }
0x2c: {  	s7 =	sld [smem:$0x3FB0]  }
0x2d: {  	s3 =	simm.s32 $0x108;
	s8 =	sld [smem:$0x3FB1]  }
0x2e: {  	s3 =	simm.s32 @!p0 $0x1082;
	s9 =	sld [smem:$0x3FB2]  }
0x2f: {  	lr =	sadd.s32 s0, s3;
	s0 =	sld [smem:$0x3FA9]  }
0x30: {  	s3 =	sld [smem:$0x3FAC]  }
0x31: {  	[smem:$0x3FB5] =	sst s10  }
0x32: {  	s10 =	sld [smem:$0x3FB3];
	_ =	sdelay $0x3  }
0x33: {  	p0 =	seq.s32 s10, $0x1;
	s10 =	sld [smem:$0x3FB5];
	_ =	sdelay $0x3  }
0x34: {  	[smem:$0x3FB5] =	sst s10  }
0x35: {  	s10 =	sld [smem:$0x3FB4];
	_ =	sdelay $0x3  }
0x36: {  	p1 =	seq.s32 s10, $0x1;
	s10 =	sld [smem:$0x3FB5];
	_ =	sdelay $0x3  }
0x37: {  	[smem:$0x3FB5] =	sst s10  }
0x38: {  	s10 =	sld [smem:$0x3FB6]  }
0x39: {  	_ = 	snop;
	(pc) =	sbr.ind lr, $3  }
0x3a: {  	_ = 	snop  }
0x3b: {  	_ = 	snop  }
0x3c: {  	p2 =	seq.s32 s10, $0x1;
	s10 =	sld [smem:$0x3FB5]  }
0x3d: {  	_ =	shalt  }
0x3e: {  	_ =	shalt  }
0x3f: {  	_ =	shalt  }
0x40: {  	_ =	shalt  }
0x41: {  	_ =	shalt  }
0x42: {  	_ =	shalt  }
0x43: {  	_ =	shalt  }
0x44: {  	_ =	shalt  }
0x45: {  	_ =	shalt  }
0x46: {  	_ =	shalt  }
0x47: {  	_ =	shalt  }
0x48: {  	_ =	shalt  }
0x49: {  	_ =	shalt  }
0x4a: {  	_ =	shalt  }
0x4b: {  	_ =	shalt  }
0x4c: {  	_ =	shalt  }
0x4d: {  	_ =	shalt  }
0x4e: {  	_ =	shalt  }
0x4f: {  	_ =	shalt  }
0x50: {  	_ =	shalt  }
0x51: {  	_ =	shalt  }
0x52: {  	_ =	shalt  }
0x53: {  	_ =	shalt  }
0x54: {  	_ =	shalt  }
0x55: {  	_ =	shalt  }
0x56: {  	_ =	shalt  }
0x57: {  	_ =	shalt  }
0x58: {  	_ =	shalt  }
0x59: {  	_ =	shalt  }
0x5a: {  	_ =	shalt  }
0x5b: {  	_ =	shalt  }
0x5c: {  	_ =	shalt  }
0x5d: {  	_ =	shalt  }
0x5e: {  	_ =	shalt  }
0x5f: {  	_ =	shalt  }
0x60: {  	_ =	shalt  }
0x61: {  	_ =	shalt  }
0x62: {  	_ =	shalt  }
0x63: {  	_ =	shalt  }
0x64: {  	_ =	shalt  }
0x65: {  	_ =	shalt  }
0x66: {  	_ =	shalt  }
0x67: {  	_ =	shalt  }
0x68: {  	_ =	shalt  }
0x69: {  	_ =	shalt  }
0x6a: {  	_ =	shalt  }
0x6b: {  	_ =	shalt  }
0x6c: {  	_ =	shalt  }
0x6d: {  	_ =	shalt  }
0x6e: {  	_ =	shalt  }
0x6f: {  	_ =	shalt  }
0x70: {  	_ =	shalt  }
0x71: {  	_ =	shalt  }
0x72: {  	_ =	shalt  }
0x73: {  	_ =	shalt  }
0x74: {  	_ =	shalt  }
0x75: {  	_ =	shalt  }
0x76: {  	_ =	shalt  }
0x77: {  	_ =	shalt  }
0x78: {  	_ =	shalt  }
0x79: {  	_ =	shalt  }
0x7a: {  	_ =	shalt  }
0x7b: {  	_ =	shalt  }
0x7c: {  	_ =	shalt  }
0x7d: {  	_ =	shalt  }
0x7e: {  	_ =	shalt  }
0x7f: {  	_ =	shalt  }
0x80: {  	_ =	shalt  }
0x81: {  	_ =	shalt  }
0x82: {  	_ =	shalt  }
0x83: {  	_ =	shalt  }
0x84: {  	_ =	shalt  }
0x85: {  	_ =	shalt  }
0x86: {  	_ =	shalt  }
0x87: {  	_ =	shalt  }
.Lfunc_end0:
.L_simem_size_0:
called_computation.1_lowered:
.L_overlay_start_0:
0x88: {  	s2 =	sld [smem:$0x3FD9]  }
0x89: {  	s3 =	sld [smem:$0x3FFE];
	_ =	sdelay $0x1  }
0x8a: {  	s1 =	srdreg.scid  }
0x8b: {  	s0 =	sand.u32 $0x1, s1  }
0x8c: {  	s17 =	sshll.u32 s0, $0xA;
	s2 =	sadd.s32 s3, s2  }
0x8d: {  	s2 =	sadd.s32 s2, s17  }
0x8e: {  	[smem:$0x3FC1] =	sst s2  }
0x8f: {  	_ = 	snop  }
0x90: {  	s2 =	sld [smem:$0x3FD0];
	(tm) =	ssettm $0x1  }
0x91: {  	s18 =	sld [smem:$0x3FFB];
	_ =	sdelay $0x3  }
0x92: {  	_ =	strace s18  }
0x93: {  	s3 =	sld [smem:$0x3FFC];
	_ =	sdelay $0x3  }
0x94: {  	_ =	strace s3  }
0x95: {  	s3 =	sld [smem:$0x3FFD];
	_ =	sdelay $0x3  }
0x96: {  	_ =	strace s3  }
0x97: {  	_ =	strace $0x8FFFFFFF  }
0x98: {  	s19 =	sld [smem:$0x3FDB];
	_ =	sdelay $0x1  }
0x99: {  	s4 =	simm.s32 $_scs_section_size  }
0x9a: {  	s5 =	simm.s32 $_size__tile_overlayer_lowered;
	s6 =	simm.s32 $_tile_overlayer_lowered  }
0x9b: {  	s22 =	simm.s32 $0x1BFF;
	s21 =	sshll.u32 s6, $0x1;
	s3 =	sadd.s32 s4, s19  }
0x9c: {  	s7 =	simm.s32 $0x0;
	s20 =	sshll.u32 s5, $0x1;
	s5 =	sadd.s32 s21, s3  }
0x9d: {  	[timem:s7], [sflag:s22] =	dma.local [hbm:s5], s20  }
0x9e: {  	_ =	swait.ge [sflag:s22], s20  }
0x9f: {  	s4 =	ssub.s32 $0x0, s20;
	[sflag:s22] =	ssyncset.done $0x0  }
0xa0: {  	[sflag:s22] =	ssyncadd.s32 s4;
	_ =	sdelay $0x1  }
0xa1: {  	s23 =	simm.s32 $0x1B8B  }
0xa2: {  	_ =	swait.ge [sflag:s23], $0x1  }
0xa3: {  	[sflag:s23] =	ssyncset.done $0x0  }
0xa4: {  	s25 =	simm.s32 $0x1B8E;
	s24 =	sld [smem:$0x3FFE];
	[sflag:s23] =	ssyncadd.s32 $0xFFFFFFFF  }
0xa5: {  	s26 =	simm.s32 $execute0_lowered;
	[smem:$0x3FD2] =	sst s25  }
0xa6: {  	s5 =	sshll.u32 s26, $0x1;
	_ =	strace $0x80000046;
	[dreg:$0x1] =	wrdreg $0xFFFFFFFF  }
0xa7: {  	s28 =	simm.s32 $_size_execute0_lowered;
	s3 =	sadd.s32 s3, s5;
	[dreg:$0x0] =	wrdreg $0x0  }
0xa8: {  	s5 =	sshll.u32 s28, $0x1;
	[dreg:$0x2] =	wrdreg s3  }
0xa9: {  	[dreg:$0x3] =	wrdreg s5  }
0xaa: {  	[dreg:$0x4] =	wrdreg $0xC0  }
0xab: {  	_ =	task [dreg:s7], $0x5FFFF  }
0xac: {  	[dreg:$0x1] =	wrdreg $0xFFFFFFFF  }
0xad: {  	[dreg:$0x0] =	wrdreg $0x60  }
0xae: {  	[dreg:$0x2] =	wrdreg s24  }
0xaf: {  	[dreg:$0x3] =	wrdreg s2  }
0xb0: {  	[dreg:$0x4] =	wrdreg $0x9  }
0xb1: {  	_ =	task.clear_ibuf [dreg:s7], $0x5FFFF;
	_ =	strace $0x90000046  }
0xb2: {  	s29 =	simm.s32 $0x9;
	_ =	strace $0x80000048  }
0xb3: {  	_ =	swait.ge [sflag:s29], $0x1  }
0xb4: {  	[sflag:s29] =	ssyncadd.s32 $0xFFFFFFFF  }
0xb5: {  	_ =	strace $0x90000048  }
0xb6: {  	_ =	sfence  }
0xb7: {  	s30 =	sld [smem:$0x0];
	_ =	sdelay $0x2  }
0xb8: {  	s31 =	sshll.u32 s1, $0xD;
	s1 =	sshrl.u32 s1, $0x2  }
0xb9: {  	s3 =	sand.u32 $0x4000, s31;
	s1 =	sadd.s32 s1, s30  }
0xba: {  	s0 =	sor.u32 s3, s0;
	s1 =	sshll.u32 s1, $0x11  }
0xbb: {  	s0 =	sor.u32 s1, s0  }
0xbc: {  	s0 =	sadd.s32 $0x8F2B, s0  }
0xbd: {  	[sflag:s0] =	ssyncadd.remote.s32 $0x1  }
0xbe: {  	_ =	sfence.sel $0xFFFF  }
0xbf: {  	[dreg:$0x0] =	wrdreg $0xFFFFFFFF;
	(pc) =	sbr.abs _section_cstart, $3  }
0xc0: {  	[dreg:$0x1] =	wrdreg $0xFFFFFFFF  }
0xc1: {  	_ =	task.clear_ibuf [dreg:s7], $0x2FFFF;
	_ =	strace $0x9FFFFFFF  }
0xc2: {  	(tm) =	ssettm $0x7FFFFFFF  }
0xc3: {  	_ =	shalt  }
tec
execute0_lowered:
.L_overlay_start_1:
0x0: {  	(tag) =	ssettag $0x1  }
0x1: {  	s8 =	rddreg [dreg:$0x0]  }
0x2: {  	s1 =	rddreg [dreg:$0x1]  }
0x3: {  	s0 =	rddreg [dreg:$0x2];
	s2 =	simm.s32 $0x0;
	s6 =	srdreg.scid  }
0x4: {  	s3 =	stileid.u32;
	s13 =	simm.s32 $0x100;
	s14 =	simm.s32 $0x180  }
0x5: {  	s15 =	simm.s32 $0x2180;
	s16 =	simm.s32 $0x4180;
	s17 =	simm.s32 $0x1  }
0x6: {  	s18 =	simm.s32 $0x0;
	[smem:$0x7FF] =	sst s2;
	s4 =	sadd.s32 $0x1E000, s8  }
0x7: {  	s5 =	sadd.s32 $0x5000, s8;
	s9 =	sand.u32 $0x1, s6;
	s6 =	sadd.s32 $0x37000, s8  }
0x8: {  	s11 =	sshll.u32 s3, $0x1;
	s7 =	sadd.s32 $0x3000, s8;
	s10 =	ssub.s32 $0x2, s9  }
0x9: {  	s8 =	sadd.s32 $0x1000, s8;
	_ =	strace $0x80000047;
	s12 =	sshrl.u32 s10, $0x1  }
0xa: {  	s9 =	sor.u32 s9, s11;
	s11 =	simm.s32 $0x2;
	s10 =	ssub.s32 s10, s12  }
0xb: {  	s9 =	smul.u32 $0x6400, s9;
	s12 =	simm.s32 $0x80;
	s10 =	smax.u32 s10, $0x1  }
.LBB2_1:
0xc: {  	s19 =	simm.s32 $0x0  }
.LBB2_2:
0xd: {  	s20 =	sshll.u32 s19, $0x7  }
0xe: {  	s20 =	sadd.s32 s9, s20  }
0xf: {  	s21 =	sshrl.u32 s20, $0x3  }
0x10: {  	s23 =	simm.s32 $0x0;
	s22 =	sadd.s32 s4, s21  }
0x11: {  	[tilespmem:s23], [sflag:$0x2] =	stream.linear.gather [hbm4b:s22+s23], $0x80, $0x38;
	[tilespmem:$0x6180] =	vst v63  }
0x12: {  	_ =	swait.ge [sflag:s11], $0x80  }
0x13: {  	[sflag:s11] =	ssyncset.done $0x0  }
0x14: {  	s31 =	sadd.s32 s5, s21;
	[sflag:s11] =	ssyncadd.s32 $0xFFFFFF80  }
0x15: {  	[tilespmem:s12], [sflag:$0x2] =	stream.linear.gather [hbm4b:s31+s23], $0x80, $0x38;
	[tilespmem:$0x6180] =	vst v63  }
0x16: {  	_ =	swait.ge [sflag:s11], $0x80  }
0x17: {  	[sflag:s11] =	ssyncset.done $0x0  }
0x18: {  	s21 =	sadd.s32 s6, s21;
	[sflag:s11] =	ssyncadd.s32 $0xFFFFFF80  }
0x19: {  	[tilespmem:s13], [sflag:$0x2] =	stream.linear.gather [hbm4b:s21+s23], $0x80, $0x38;
	[tilespmem:$0x6180] =	vst v63  }
0x1a: {  	_ =	swait.ge [sflag:s11], $0x80  }
0x1b: {  	[sflag:s11] =	ssyncset.done $0x0  }
0x1c: {  	[sflag:s11] =	ssyncadd.s32 $0xFFFFFF80  }
0x1d: {  	[tilespmem:s14], [sflag:$0x1] =	stream.indirect.gather [hbm4b:s7+s12], $0x40, s23, s12, $0xb8;
	[tilespmem:$0x6180] =	vst v63  }
0x1e: {  	_ = 	snop  }
0x1f: {  	[tilespmem:s15], [sflag:$0x1] =	stream.indirect.gather [hbm4b:s7+s12], $0x40, s12, s12, $0xb8;
	[tilespmem:$0x6180] =	vst v63  }
0x20: {  	_ = 	snop  }
0x21: {  	[tilespmem:s16], [sflag:$0x1] =	stream.indirect.gather [hbm4b:s8+s12], $0x40, s13, s12, $0xb8;
	[tilespmem:$0x6180] =	vst v63  }
0x22: {  	_ =	swait.ge [sflag:s17], $0x2000  }
0x23: {  	[sflag:s17] =	ssyncset.done $0x0  }
0x24: {  	[sflag:s17] =	ssyncadd.s32 $0xFFFFE000  }
0x25: {  	_ =	swait.ge [sflag:s17], $0x2000  }
0x26: {  	[sflag:s17] =	ssyncset.done $0x0  }
0x27: {  	[sflag:s17] =	ssyncadd.s32 $0xFFFFE000  }
0x28: {  	_ =	swait.ge [sflag:s17], $0x2000  }
0x29: {  	[sflag:s17] =	ssyncset.done $0x0  }
0x2a: {  	s21 =	simm.s32 $0x0;
	[sflag:s17] =	ssyncadd.s32 $0xFFFFE000  }
0x2b: {  	v5 =	vld [tilespmem:s21+$0x4180]  }
0x2c: {  	v4 =	vld [tilespmem:s21+$0x4190]  }
0x2d: {  	v3 =	vld [tilespmem:s21+$0x2180]  }
0x2e: {  	v2 =	vld [tilespmem:s21+$0x2190]  }
0x2f: {  	v1 =	vld [tilespmem:s21+$0x21A0]  }
0x30: {  	v0 =	vld [tilespmem:s21+$0x21B0]  }
0x31: {  	v7 =	vld [tilespmem:s21+$0x180]  }
0x32: {  	v8 =	vld [tilespmem:s21+$0x190]  }
0x33: {  	s22 =	simm.s32 $0x100;
	v6 =	vld [tilespmem:s21+$0x1A0]  }
.LBB2_3:
0x34: {  	p0 =	sne.s32 s22, $0x7F00;
	v9 =	vld [tilespmem:s21+$0x1B0]  }
0x35: {  	v10 =	vld [tilespmem:s21+$0x41A0]  }
0x36: {  	s23 =	sshra.s32 s22, $0x2;
	v3 =	vadd.f32 v3, v7;
	v7 =	vld [tilespmem:s21+$0x41B0]  }
0x37: {  	v11 =	vld [tilespmem:s23+$0x4180];
	v2 =	vadd.f32 v2, v8  }
0x38: {  	v8 =	vld [tilespmem:s23+$0x4190];
	v5 =	vadd.f32 v5, v3;
	v1 =	vadd.f32 v1, v6  }
0x39: {  	v3 =	vld [tilespmem:s23+$0x2180];
	v4 =	vadd.f32 v4, v2;
	v0 =	vadd.f32 v0, v9  }
0x3a: {  	v2 =	vld [tilespmem:s23+$0x2190];
	[tilespmem:s21+$0x180] =	vst v5;
	v6 =	vadd.f32 v10, v1  }
.Ltmp0:
0x3b: {  	v1 =	vld [tilespmem:s23+$0x21A0];
	[tilespmem:s21+$0x190] =	vst v4;
	v9 =	vadd.f32 v7, v0;
	(pc) =	sbr.rel @p0 .LBB2_3-.Ltmp0, $4  }
0x3c: {  	v0 =	vld [tilespmem:s23+$0x21B0];
	[tilespmem:s21+$0x1A0] =	vst v6;
	v5 =	vmov v11  }
0x3d: {  	v7 =	vld [tilespmem:s23+$0x180];
	[tilespmem:s21+$0x1B0] =	vst v9;
	v4 =	vmov v8;
	s21 =	smov.u32 s23  }
0x3e: {  	v8 =	vld [tilespmem:s21+$0x190]  }
0x3f: {  	s22 =	sadd.s32 $0x100, s22;
	v6 =	vld [tilespmem:s21+$0x1A0]  }
0x40: {  	v9 =	vld [tilespmem:s21+$0x1B0]  }
0x41: {  	v10 =	vld [tilespmem:s21+$0x41A0]  }
0x42: {  	v63 =	vld [tilespmem:s21+$0x41B0];
	v3 =	vadd.f32 v3, v7  }
0x43: {  	v2 =	vadd.f32 v2, v8  }
0x44: {  	v3 =	vadd.f32 v5, v3;
	v1 =	vadd.f32 v1, v6  }
0x45: {  	v2 =	vadd.f32 v4, v2;
	v0 =	vadd.f32 v0, v9  }
0x46: {  	[tilespmem:s21+$0x180] =	vst v3;
	v1 =	vadd.f32 v10, v1  }
0x47: {  	s19 =	sadd.s32 $0x1, s19;
	[tilespmem:s21+$0x190] =	vst v2;
	v0 =	vadd.f32 v63, v0  }
0x48: {  	s20 =	sshll.u32 s20, $0x3;
	p0 =	sne.s32 s19, $0xC8;
	[tilespmem:s21+$0x1A0] =	vst v1  }
.Ltmp1:
0x49: {  	s20 =	sadd.s32 s1, s20;
	[tilespmem:s21+$0x1B0] =	vst v0;
	(pc) =	sbr.rel @p0 .LBB2_2-.Ltmp1, $4  }
0x4a: {  	[hbm4b:s20+s2] =	stream.linear.scatter [tilespmem:s14], [sflag:$0x2], $0x2000, $0x38;
	[tilespmem:$0x6180] =	vst v63  }
0x4b: {  	_ =	swait.ge [sflag:s11], $0x2000  }
0x4c: {  	[sflag:s11] =	ssyncset.done $0x0  }
0x4d: {  	[sflag:s11] =	ssyncadd.s32 $0xFFFFE000  }
0x4e: {  	s18 =	sadd.s32 $0x1, s18  }
0x4f: {  	p0 =	sne.s32 s18, s10  }
.Ltmp2:
0x50: {  	_ = 	snop;
	(pc) =	sbr.rel @p0 .LBB2_1-.Ltmp2, $1  }
0x51: {  	_ =	sdelay $0x3  }
0x52: {  	_ =	sfence.sel $0x180000  }
0x53: {  	[bflag:$0x0] =	sbarrier.arrive $0xFFFF  }
0x54: {  	p0 =	sne.s32 s3, $0x0;
	_ =	strace $0x90000047  }
0x55: {  	s0 =	sadd.s32 @!p0 $0x100000, s0;
	[bflag:$0x2] =	sbarrier.arrive $0xFFFF  }
0x56: {  	[sflag:s0] =	ssyncadd.tile.s32 @!p0 $0x1;
	_ =	shalt  }
.Lfunc_end2:
_tile_overlayer_lowered:
.L_overlay_start_2:
0x57: {  	(tag) =	ssettag $0x2  }
0x58: {  	s0 =	rddreg [dreg:$0x0];
	s2 =	stileid.u32  }
0x59: {  	s1 =	rddreg [dreg:$0x1];
	p0 =	sne.s32 s2, $0x0  }
0x5a: {  	s3 =	rddreg [dreg:$0x2];
	[bflag:$0x3] =	sbarrier.arrive $0xFFFF;
	s2 =	simm.s32 @!p0 $0x1C02  }
0x5b: {  	[timem:s3], [sflag:s2] =	dma.local @!p0 [hbm:s0], s1  }
0x5c: {  	s0 =	simm.s32 @!p0 $0x2  }
0x5d: {  	_ =	swait.ge @!p0 [sflag:s0], s1  }
0x5e: {  	s1 =	ssub.s32 @!p0 $0x0, s1;
	[sflag:s0] =	ssyncset.done @!p0 $0x0  }
0x5f: {  	[sflag:s0] =	ssyncadd.s32 @!p0 s1  }
0x60: {  	[bflag:$0x3] =	sbarrier.arrive $0xFFFF  }
0x61: {  	_ =	shalt  }

// kernel: sparse-core-data-format-call.cloned.1.call-start
scs
called_computation_lowered:
.L_overlay_start_0:
0x0: {  	s2 =	sld [smem:$0x3FD9]  }
0x1: {  	s3 =	sld [smem:$0x3FFE];
	_ =	sdelay $0x1  }
0x2: {  	s1 =	srdreg.scid  }
0x3: {  	s0 =	sand.u32 $0x1, s1  }
0x4: {  	s18 =	sshll.u32 s0, $0xA;
	s2 =	sadd.s32 s3, s2  }
0x5: {  	s2 =	sadd.s32 s2, s18  }
0x6: {  	[smem:$0x3FC1] =	sst s2  }
0x7: {  	_ = 	snop  }
0x8: {  	s2 =	sld [smem:$0x3FD0];
	(tm) =	ssettm $0x1  }
0x9: {  	s19 =	sld [smem:$0x3FFB];
	_ =	sdelay $0x3  }
0xa: {  	_ =	strace s19  }
0xb: {  	s3 =	sld [smem:$0x3FFC];
	_ =	sdelay $0x3  }
0xc: {  	_ =	strace s3  }
0xd: {  	s3 =	sld [smem:$0x3FFD];
	_ =	sdelay $0x3  }
0xe: {  	_ =	strace s3  }
0xf: {  	_ =	strace $0x8FFFFFFF  }
0x10: {  	s20 =	sld [smem:$0x3FDB];
	_ =	sdelay $0x1  }
0x11: {  	s4 =	simm.s32 $_scs_section_size  }
0x12: {  	s5 =	simm.s32 $_size__tile_overlayer_lowered;
	s6 =	simm.s32 $_tile_overlayer_lowered  }
0x13: {  	s23 =	simm.s32 $0x1BFF;
	s22 =	sshll.u32 s6, $0x1;
	s3 =	sadd.s32 s4, s20  }
0x14: {  	s7 =	simm.s32 $0x0;
	s21 =	sshll.u32 s5, $0x1;
	s5 =	sadd.s32 s22, s3  }
0x15: {  	[timem:s7], [sflag:s23] =	dma.local [hbm:s5], s21  }
0x16: {  	_ =	swait.ge [sflag:s23], s21  }
0x17: {  	s4 =	ssub.s32 $0x0, s21;
	[sflag:s23] =	ssyncset.done $0x0  }
0x18: {  	[sflag:s23] =	ssyncadd.s32 s4;
	_ =	sdelay $0x1  }
0x19: {  	s24 =	simm.s32 $0x1B8B  }
0x1a: {  	_ =	swait.ge [sflag:s24], $0x1  }
0x1b: {  	[sflag:s24] =	ssyncset.done $0x0  }
0x1c: {  	s26 =	simm.s32 $0x1B8E;
	s25 =	sld [smem:$0x3FFE];
	[sflag:s24] =	ssyncadd.s32 $0xFFFFFFFF  }
0x1d: {  	s27 =	simm.s32 $execute0_lowered;
	[smem:$0x3FD2] =	sst s26  }
0x1e: {  	s5 =	sshll.u32 s27, $0x1;
	_ =	strace $0x80000049;
	[dreg:$0x1] =	wrdreg $0xFFFFFFFF  }
0x1f: {  	s28 =	simm.s32 $_size_execute0_lowered;
	s3 =	sadd.s32 s3, s5;
	[dreg:$0x0] =	wrdreg $0x0  }
0x20: {  	s5 =	sshll.u32 s28, $0x1;
	[dreg:$0x2] =	wrdreg s3  }
0x21: {  	[dreg:$0x3] =	wrdreg s5  }
0x22: {  	[dreg:$0x4] =	wrdreg $0xC0  }
0x23: {  	_ =	task [dreg:s7], $0x5FFFF  }
0x24: {  	[dreg:$0x1] =	wrdreg $0xFFFFFFFF  }
0x25: {  	[dreg:$0x0] =	wrdreg $0x60  }
0x26: {  	[dreg:$0x2] =	wrdreg s25  }
0x27: {  	[dreg:$0x3] =	wrdreg s2  }
0x28: {  	[dreg:$0x4] =	wrdreg $0x9  }
0x29: {  	_ =	task.clear_ibuf [dreg:s7], $0x5FFFF;
	_ =	strace $0x90000049  }
0x2a: {  	s29 =	simm.s32 $0x9;
	_ =	strace $0x8000004B  }
0x2b: {  	_ =	swait.ge [sflag:s29], $0x1  }
0x2c: {  	[sflag:s29] =	ssyncadd.s32 $0xFFFFFFFF  }
0x2d: {  	_ =	strace $0x9000004B  }
0x2e: {  	_ =	sfence  }
0x2f: {  	s30 =	sld [smem:$0x0];
	_ =	sdelay $0x2  }
0x30: {  	s31 =	sshll.u32 s1, $0xD;
	s1 =	sshrl.u32 s1, $0x2  }
0x31: {  	s3 =	sand.u32 $0x4000, s31;
	s1 =	sadd.s32 s1, s30  }
0x32: {  	s0 =	sor.u32 s3, s0;
	s1 =	sshll.u32 s1, $0x11  }
0x33: {  	s0 =	sor.u32 s1, s0  }
0x34: {  	s0 =	sadd.s32 $0x8F2B, s0  }
0x35: {  	[sflag:s0] =	ssyncadd.remote.s32 $0x1  }
0x36: {  	_ =	sfence.sel $0xFFFF  }
0x37: {  	[dreg:$0x0] =	wrdreg $0xFFFFFFFF;
	(pc) =	sbr.abs _section_cstart, $3  }
0x38: {  	[dreg:$0x1] =	wrdreg $0xFFFFFFFF  }
0x39: {  	_ =	task.clear_ibuf [dreg:s7], $0x2FFFF;
	_ =	strace $0x9FFFFFFF  }
0x3a: {  	(tm) =	ssettm $0x7FFFFFFF  }
0x3b: {  	_ =	shalt  }
tec
execute0_lowered:
.L_overlay_start_1:
0x0: {  	(tag) =	ssettag $0x1  }
0x1: {  	s0 =	srdreg.scid  }
0x2: {  	s1 =	sshll.u32 s0, $0x4  }
0x3: {  	s0 =	stileid.u32;
	s1 =	sand.u32 $0x10, s1  }
0x4: {  	s1 =	sor.u32 s0, s1  }
0x5: {  	s6 =	rddreg [dreg:$0x0];
	s4 =	simm.s32 $0x1;
	s2 =	sshll.u32 s1, $0x7  }
0x6: {  	s7 =	simm.s32 $0x2;
	s12 =	simm.s32 $0x0;
	s1 =	ssub.s32 $0x4000, s2  }
0x7: {  	s8 =	simm.s32 $0x20000;
	s13 =	simm.s32 $0x0;
	s3 =	sand.u32 $0xF80, s1  }
0x8: {  	s9 =	simm.s32 $0x0;
	s5 =	sshrl.u32 s1, $0xC;
	p0 =	sne.s32 s3, $0x0  }
.Ltmp0:
0x9: {  	s1 =	rddreg [dreg:$0x2];
	s4 =	simm.s32 @!p0 $0x0;
	(pc) =	sbr.rel .LBB1_1-.Ltmp0, $4  }
0xa: {  	s11 =	simm.s32 $0x0;
	s3 =	rddreg [dreg:$0x1];
	s5 =	sadd.s32 s4, s5  }
0xb: {  	_ =	strace $0x8000004A;
	s4 =	simm.s32 $0x1;
	s5 =	smul.u32 $0x32, s5  }
0xc: {  	s6 =	sadd.s32 $0x1000, s6;
	s10 =	smov.u32 s2;
	[sflag:s4] =	ssyncpa.u1 $0x0  }
0xd: {  	p0 =	por $0x0, $0x0;
	[sflag:s7] =	ssyncpa.u1 $0x0;
	s7 =	sor.u32 $0x1, s5  }
.LBB1_4:
0xe: {  	s16 =	sshll.u32 s13, $0x3;
	s17 =	sand.u32 $0x78, s13  }
0xf: {  	s30 =	sand.u32 $0x1F800, s13;
	s12 =	sshll.u32 s12, $0x11;
	s16 =	sand.u32 $0x3C00, s16  }
0x10: {  	[tilespmem:s15+$0x810 ss:$0x81] =	vst.msk $0xffff, v2;
	s31 =	sand.u32 $0x7, s13;
	s16 =	sor.u32 s17, s16;
	s17 =	sadd.s32 s3, s30  }
0x11: {  	[tilespmem:s15+$0x1020 ss:$0x81] =	vst.msk $0xffff, v0;
	s13 =	sshll.u32 s31, $0x12;
	s12 =	sadd.s32 s12, s17;
	s16 =	sshrl.u32 s16, $0x3  }
0x12: {  	[tilespmem:s15+$0x0 ss:$0x81] =	vst.msk $0xffff, v1;
	s13 =	sor.u32 $0x400, s13;
	s12 =	sadd.s32 s16, s12  }
0x13: {  	[hbm4b:s12+s13] =	stream.strided.scatter [tilespmem:s14], [sflag:$0x2], $0x2000, s8, s13, $0x20;
	[tilespmem:$0x8080] =	vst v63  }
.LBB1_5:
0x14: {  	s14 =	sadd.s32 $0x1, s9  }
0x15: {  	s12 =	sadd.s32 $0x1000, s10;
	s16 =	smov.u32 s10;
	p2 =	sgt.s32 s14, $0x31  }
0x16: {  	s16 =	smov.u32 @p2 s12  }
0x17: {  	s14 =	simm.s32 @p2 $0x0;
	p2 =	sgt.s32 s16, $0x3FFF  }
0x18: {  	s16 =	smov.u32 @p2 s2;
	p2 =	sne.s32 s11, s7  }
.Ltmp1:
0x19: {  	p1 =	slt.u32 s11, $0x2;
	(pc) =	sbr.rel @!p2 .LBB1_6-.Ltmp1, $4  }
0x1a: {  	s15 =	simm.s32 @!p1 $0x2  }
0x1b: {  	s13 =	smov.u32 s10;
	p0 =	por !p0, !p0;
	_ =	swait.ge @!p1 [sflag:s15], $0x2000  }
0x1c: {  	s12 =	smov.u32 s9;
	[sflag:s15] =	ssyncset.done @!p1 $0x0;
	s9 =	smov.u32 s14  }
0x1d: {  	s11 =	sadd.s32 $0x1, s11;
	[sflag:s15] =	ssyncadd.s32 @!p1 $0xFFFFE000;
	s10 =	smov.u32 s16  }
.LBB1_1:
0x1e: {  	p1 =	sge.u32 s11, s5  }
0x1f: {  	s14 =	sand.u32 @!p1 $0x1FFFFFF, s9  }
0x20: {  	s15 =	smulhi.u32 @!p1 $0x4924925, s14;
	_ =	sdelay $0x1  }
0x21: {  	s15 =	smul.u32 @!p1 $0x38, s15  }
0x22: {  	s16 =	sxor.u32 @!p1 $0xFFFFFFFF, s11;
	s17 =	smul.u32 @!p1 $0x380, s10  }
0x23: {  	s31 =	sadd.s32 $0xFFFFFFFF, s11;
	s16 =	sshll.u32 @!p1 s16, $0xD;
	s14 =	ssub.s32 @!p1 s14, s15  }
0x24: {  	s15 =	sand.u32 @!p1 $0x2000, s16;
	s16 =	sadd.s32 @!p1 s6, s17;
	s14 =	sshll.u32 @!p1 s14, $0x4  }
0x25: {  	s17 =	simm.s32 @!p1 $0x1C00;
	s14 =	sadd.s32 @!p1 s14, s16;
	s16 =	simm.s32 @!p1 $0x40  }
0x26: {  	[tilespmem:s15], [sflag:$0x1] =	stream.strided.gather @!p1 [hbm4b:s14+s16], $0x2000, s17, s16, $0x38;
	[tilespmem:$0x8080] =	vst v63  }
0x27: {  	p1 =	sge.u32 s31, s5  }
.Ltmp2:
0x28: {  	_ = 	snop;
	(pc) =	sbr.rel @p1 .LBB1_5-.Ltmp2, $1  }
0x29: {  	_ =	sdelay $0x3  }
0x2a: {  	s14 =	simm.s32 $0x1  }
0x2b: {  	_ =	swait.ge [sflag:s4], $0x2000;
	s14 =	simm.s32 @!p0 $0x0  }
0x2c: {  	[sflag:s4] =	ssyncset.done $0x0;
	s15 =	sshll.u32 s14, $0xD  }
0x2d: {  	[sflag:s4] =	ssyncadd.s32 $0xFFFFE000;
	s18 =	sor.u32 $0x20, s15  }
0x2e: {  	s14 =	smul.u32 $0x8100, s14;
	v3 =	vld [tilespmem:s18+$0x10]  }
0x2f: {  	s30 =	sand.u32 $0x1, s11;
	v2 =	vld [tilespmem:s18+$0xFFFFFFF0]  }
0x30: {  	s15 =	smul.u32 $0x8100, s30;
	s14 =	sshrl.u32 s14, $0x2;
	v0 =	vld [tilespmem:s18+$0x0]  }
0x31: {  	v1 =	vld [tilespmem:s18+$0xFFFFFFE0];
	s16 =	sor.u32 $0x4000, s14  }
0x32: {  	s31 =	sshrl.u32 s15, $0x2;
	s15 =	sadd.s32 $0x0, s16  }
0x33: {  	s17 =	simm.s32 $0x4;
	s18 =	sadd.s32 $0x40, s18;
	s14 =	sor.u32 $0x4000, s31;
	[tilespmem:s15+$0x1830 ss:$0x81] =	vst.msk $0xffff, v3  }
.LBB1_3:
0x34: {  	v3 =	vld [tilespmem:s18+$0x10];
	p1 =	sne.s32 s17, $0x1FC;
	[tilespmem:s15+$0x810 ss:$0x81] =	vst.msk $0xffff, v2;
	s19 =	smov.u32 s17;
	s17 =	sadd.s32 $0x4, s17  }
.Ltmp3:
0x35: {  	v2 =	vld [tilespmem:s18+$0xFFFFFFF0];
	[tilespmem:s15+$0x1020 ss:$0x81] =	vst.msk $0xffff, v0;
	(pc) =	sbr.rel @p1 .LBB1_3-.Ltmp3, $4  }
0x36: {  	v0 =	vld [tilespmem:s18+$0x0];
	[tilespmem:s15+$0x0 ss:$0x81] =	vst.msk $0xffff, v1  }
0x37: {  	s15 =	sshra.s32 s19, $0x2;
	v1 =	vld [tilespmem:s18+$0xFFFFFFE0]  }
0x38: {  	s15 =	sadd.s32 s15, s16  }
0x39: {  	s18 =	sadd.s32 $0x40, s18;
	[tilespmem:s15+$0x1830 ss:$0x81] =	vst.msk $0xffff, v3  }
.Ltmp4:
0x3a: {  	_ = 	snop;
	(pc) =	sbr.rel .LBB1_4-.Ltmp4, $1  }
0x3b: {  	_ =	sdelay $0x3  }
.LBB1_6:
0x3c: {  	_ =	sfence.sel $0x180000  }
0x3d: {  	s2 =	simm.s32 $0x1;
	[bflag:$0x0] =	sbarrier.arrive $0xFFFF  }
0x3e: {  	s31 =	simm.s32 $0x2;
	[sflag:s2] =	ssyncpa.u1 $0x1  }
0x3f: {  	[sflag:s31] =	ssyncpa.u1 $0x1  }
0x40: {  	p0 =	sne.s32 s0, $0x0;
	_ =	strace $0x9000004A  }
0x41: {  	s0 =	sadd.s32 @!p0 $0x100000, s1;
	[bflag:$0x2] =	sbarrier.arrive $0xFFFF  }
0x42: {  	[sflag:s0] =	ssyncadd.tile.s32 @!p0 $0x1;
	_ =	shalt  }
.Lfunc_end1:
_tile_overlayer_lowered:
.L_overlay_start_2:
0x43: {  	(tag) =	ssettag $0x2  }
0x44: {  	s0 =	rddreg [dreg:$0x0];
	s2 =	stileid.u32  }
0x45: {  	s1 =	rddreg [dreg:$0x1];
	p0 =	sne.s32 s2, $0x0  }
0x46: {  	s3 =	rddreg [dreg:$0x2];
	[bflag:$0x3] =	sbarrier.arrive $0xFFFF;
	s2 =	simm.s32 @!p0 $0x1C01  }
0x47: {  	[timem:s3], [sflag:s2] =	dma.local @!p0 [hbm:s0], s1  }
0x48: {  	s0 =	simm.s32 @!p0 $0x1  }
0x49: {  	_ =	swait.ge @!p0 [sflag:s0], s1  }
0x4a: {  	s1 =	ssub.s32 @!p0 $0x0, s1;
	[sflag:s0] =	ssyncset.done @!p0 $0x0  }
0x4b: {  	[sflag:s0] =	ssyncadd.s32 @!p0 s1  }
0x4c: {  	[bflag:$0x3] =	sbarrier.arrive $0xFFFF  }
0x4d: {  	_ =	shalt  }

</sc_bundles>
